<compile_context>
chip_gen: v7x
topology: tpu7x:2x2x1
jax: 0.10.2.dev20260603
libtpu: 0.0.44.dev20260713+nightly
codegen_flags: <defaults>
</compile_context>

<pallas_src>
import jax
import jax.numpy as jnp
from jax import lax
from jax.experimental import pallas as pl
from jax.experimental.pallas import tpu as pltpu
from jax.experimental.pallas import tpu_sc as plsc

N = 10000
D = 128
E = 320000
NC = 2
NS = 16
LANES = 16

NPAD = 10240
DEG_PT = E // NS
RED_PT = NPAD // NS

CH = 120
RB = 12
NBLK = 14
NCHUNK = RB * NBLK
NBUF = 3
EDGES_PT = CH * NCHUNK
PE = EDGES_PT * NS
ACC_N = 10112
DUMP = N
ZROWS = ACC_N // NS


def _deg_body(ei_hbm, out_hbm, idx_v, hist_v, tmp_v, shist_s, sem):
    c = lax.axis_index("c")
    s = lax.axis_index("s")
    ones = jnp.ones((LANES,), jnp.float32)
    zeros = jnp.zeros((LANES,), jnp.float32)

    def zero_hist(i, _):
        hist_v[pl.ds(i * LANES, LANES)] = zeros
        return 0
    lax.fori_loop(0, NPAD // LANES, zero_hist, 0)

    pltpu.sync_copy(ei_hbm.at[c, s, 0], idx_v)

    def acc_body(i, _):
        idx = idx_v[pl.ds(i * LANES, LANES)]
        plsc.addupdate_scatter(hist_v, [idx], ones)
        return 0
    lax.fori_loop(0, DEG_PT // LANES, acc_body, 0)

    pltpu.sync_copy(hist_v, shist_s.at[s, 0])
    plsc.subcore_barrier()

    rbase = pl.multiple_of(s * RED_PT, 128)

    def zero_red(i, _):
        hist_v[pl.ds(i * LANES, LANES)] = zeros
        return 0
    lax.fori_loop(0, RED_PT // LANES, zero_red, 0)

    def red_body(t, _):
        pltpu.sync_copy(shist_s.at[t, 0, pl.ds(rbase, RED_PT)], tmp_v)

        def add_body(i, _):
            sl = pl.ds(i * LANES, LANES)
            hist_v[sl] = hist_v[sl] + tmp_v[sl]
            return 0
        lax.fori_loop(0, RED_PT // LANES, add_body, 0)
        return 0
    lax.fori_loop(0, NS, red_body, 0)

    def recip_body(i, _):
        sl = pl.ds(i * LANES, LANES)
        tmp_v[sl] = 1.0 / hist_v[sl]
        return 0
    lax.fori_loop(0, RED_PT // LANES, recip_body, 0)
    pltpu.sync_copy(tmp_v, out_hbm.at[c, 0, pl.ds(rbase, RED_PT)])


@jax.jit
def _deg_kernel(eidx):
    mesh = plsc.VectorSubcoreMesh(core_axis_name="c", subcore_axis_name="s")
    return pl.kernel(
        _deg_body,
        out_type=jax.ShapeDtypeStruct((NC, 1, NPAD), jnp.float32),
        mesh=mesh,
        compiler_params=pltpu.CompilerParams(needs_layout_passes=False),
        scratch_types=[
            pltpu.VMEM((DEG_PT,), jnp.int32),
            pltpu.VMEM((NPAD,), jnp.float32),
            pltpu.VMEM((RED_PT,), jnp.float32),
            pltpu.VMEM_SHARED((NS, 1, NPAD), jnp.float32),
            pltpu.SemaphoreType.DMA,
        ],
    )(eidx)


def _mp_body(xcat_hbm, gidx_hbm, sidx_hbm, ab_hbm,
             gbuf, sbuf, d0, d1, d2, acc_s, sem0, sem1, sem2):
    c = lax.axis_index("c")
    s = lax.axis_index("s")
    zeros = jnp.zeros((LANES,), jnp.float32)
    dbuf = (d0, d1, d2)
    gsem = (sem0, sem1, sem2)

    def zero_buf(i, _):
        r = i // (D // LANES)
        l = i % (D // LANES)
        d0[r, pl.ds(l * LANES, LANES)] = zeros
        return 0
    lax.fori_loop(0, CH * (D // LANES), zero_buf, 0)
    zbase = pl.multiple_of(s * ZROWS, 8)
    for r0 in range(0, ZROWS - CH + 1, CH):
        pltpu.sync_copy(d0, acc_s.at[pl.ds(zbase + r0, CH)])
    rem = ZROWS % CH
    if rem:
        pltpu.sync_copy(d0.at[pl.ds(0, rem)],
                        acc_s.at[pl.ds(zbase + (ZROWS - rem), rem)])
    plsc.subcore_barrier()

    def blk_body(bb, _):
        pltpu.sync_copy(gidx_hbm.at[c, s, pl.ds(bb * RB, RB)], gbuf)
        pltpu.sync_copy(sidx_hbm.at[c, s, pl.ds(bb * RB, RB)], sbuf)
        for t in range(NBUF):
            pltpu.async_copy(xcat_hbm.at[gbuf.at[t, 0]], dbuf[t], gsem[t])
        for j in range(RB):
            b = j % NBUF
            pltpu.make_async_copy(
                xcat_hbm.at[gbuf.at[j, 0]], dbuf[b], gsem[b]).wait()
            pltpu.sync_copy(dbuf[b], acc_s.at[sbuf.at[j, 0]], add=True)
            if j + NBUF < RB:
                pltpu.async_copy(
                    xcat_hbm.at[gbuf.at[j + NBUF, 0]], dbuf[b], gsem[b])
        return 0
    lax.fori_loop(0, NBLK, blk_body, 0)

    plsc.subcore_barrier()

    obase = pl.multiple_of(s * ZROWS, 8)
    pltpu.sync_copy(acc_s.at[pl.ds(obase, ZROWS)],
                    ab_hbm.at[c, pl.ds(obase, ZROWS)])


@jax.jit
def _mp_kernel(xcat, gidx, sidx):
    mesh = plsc.VectorSubcoreMesh(core_axis_name="c", subcore_axis_name="s")
    return pl.kernel(
        _mp_body,
        out_type=jax.ShapeDtypeStruct((NC, ACC_N, D), jnp.float32),
        mesh=mesh,
        scratch_types=[
            pltpu.VMEM((RB, 1, CH), jnp.int32),
            pltpu.VMEM((RB, 1, CH), jnp.int32),
            pltpu.VMEM((CH, D), jnp.float32),
            pltpu.VMEM((CH, D), jnp.float32),
            pltpu.VMEM((CH, D), jnp.float32),
            pltpu.VMEM_SHARED((ACC_N, D), jnp.float32),
            pltpu.SemaphoreType.DMA,
            pltpu.SemaphoreType.DMA,
            pltpu.SemaphoreType.DMA,
        ],
    )(xcat, gidx, sidx)


BN = 1000


def _scale_body(x_ref, ro_ref, ri_ref, o_ref):
    x = x_ref[...]
    o_ref[0] = x * ro_ref[...]
    o_ref[1] = x * ri_ref[...]


@jax.jit
def _scale_kernel(x, ro, ri):
    return pl.pallas_call(
        _scale_body,
        grid=(N // BN,),
        in_specs=[
            pl.BlockSpec((BN, D), lambda i: (i, 0)),
            pl.BlockSpec((BN, 1), lambda i: (i, 0)),
            pl.BlockSpec((BN, 1), lambda i: (i, 0)),
        ],
        out_specs=pl.BlockSpec((NC, BN, D), lambda i: (0, i, 0)),
        out_shape=jax.ShapeDtypeStruct((NC, N, D), jnp.float32),
    )(x, ro, ri)


def _gate_body(x_ref, a_ref, b_ref, wc_ref, bc_ref, o_ref):
    m = jnp.concatenate([x_ref[...], a_ref[...], b_ref[...]], axis=1)
    p = jnp.dot(m, wc_ref[...], preferred_element_type=jnp.float32)
    p = p + bc_ref[...]
    z = jax.nn.sigmoid(p[:, :D])
    h = jnp.tanh(p[:, D:])
    o_ref[...] = (1.0 - z) * h


def _gate_scale_body(x_ref, a_ref, b_ref, wc_ref, bc_ref, ro_ref, ri_ref,
                     o_ref, oc_ref):
    m = jnp.concatenate([x_ref[...], a_ref[...], b_ref[...]], axis=1)
    p = jnp.dot(m, wc_ref[...], preferred_element_type=jnp.float32)
    p = p + bc_ref[...]
    z = jax.nn.sigmoid(p[:, :D])
    h = jnp.tanh(p[:, D:])
    o = (1.0 - z) * h
    o_ref[...] = o
    oc_ref[0] = o * ro_ref[...]
    oc_ref[1] = o * ri_ref[...]


@jax.jit
def _gate_scale_kernel(x, a, b, wc, bc, ro, ri):
    return pl.pallas_call(
        _gate_scale_body,
        grid=(N // BN,),
        in_specs=[
            pl.BlockSpec((BN, D), lambda i: (i, 0)),
            pl.BlockSpec((BN, D), lambda i: (i, 0)),
            pl.BlockSpec((BN, D), lambda i: (i, 0)),
            pl.BlockSpec((3 * D, 2 * D), lambda i: (0, 0)),
            pl.BlockSpec((1, 2 * D), lambda i: (0, 0)),
            pl.BlockSpec((BN, 1), lambda i: (i, 0)),
            pl.BlockSpec((BN, 1), lambda i: (i, 0)),
        ],
        out_specs=[
            pl.BlockSpec((BN, D), lambda i: (i, 0)),
            pl.BlockSpec((NC, BN, D), lambda i: (0, i, 0)),
        ],
        out_shape=[
            jax.ShapeDtypeStruct((N, D), jnp.float32),
            jax.ShapeDtypeStruct((NC, N, D), jnp.float32),
        ],
    )(x, a, b, wc, bc, ro, ri)


@jax.jit
def _gate_kernel(x, a, b, wc, bc):
    return pl.pallas_call(
        _gate_body,
        grid=(N // BN,),
        in_specs=[
            pl.BlockSpec((BN, D), lambda i: (i, 0)),
            pl.BlockSpec((BN, D), lambda i: (i, 0)),
            pl.BlockSpec((BN, D), lambda i: (i, 0)),
            pl.BlockSpec((3 * D, 2 * D), lambda i: (0, 0)),
            pl.BlockSpec((1, 2 * D), lambda i: (0, 0)),
        ],
        out_specs=pl.BlockSpec((BN, D), lambda i: (i, 0)),
        out_shape=jax.ShapeDtypeStruct((N, D), jnp.float32),
    )(x, a, b, wc, bc)


def kernel(x, edge_index, Wz, bz, Wr, br, Wh, bh):
    row = edge_index[0]
    col = edge_index[1]
    L = Wz.shape[0]

    pad = PE - E
    g0 = jnp.concatenate([row, jnp.zeros((pad,), jnp.int32)])
    g1 = jnp.concatenate([col, jnp.zeros((pad,), jnp.int32)]) + N
    s0 = jnp.concatenate([col, jnp.full((pad,), DUMP, jnp.int32)])
    s1 = jnp.concatenate([row, jnp.full((pad,), DUMP, jnp.int32)])
    gidx = jnp.stack([g0, g1]).reshape(NC, NS, NCHUNK, 1, CH)
    sidx = jnp.stack([s0, s1]).reshape(NC, NS, NCHUNK, 1, CH)
    eidx = edge_index.reshape(NC, NS, 1, DEG_PT)

    recip = _deg_kernel(eidx)
    ro = recip[0, 0, :N].reshape(N, 1)
    ri = recip[1, 0, :N].reshape(N, 1)

    def wcat(l):
        wz0 = Wz[l, 0, 0, :D] + Wz[l, 1, 0, :D]
        wh0 = Wh[l, 0, 0, :D] + Wh[l, 1, 0, :D]
        return jnp.concatenate([
            jnp.concatenate([wz0, wh0], axis=1),
            jnp.concatenate([Wz[l, 0, 1, :D], Wh[l, 0, 1, :D]], axis=1),
            jnp.concatenate([Wz[l, 1, 1, :D], Wh[l, 1, 1, :D]], axis=1),
        ], axis=0)

    X = x
    xcat = _scale_kernel(X, ro, ri).reshape(NC * N, D)
    for l in range(L):
        ab = _mp_kernel(xcat, gidx, sidx)
        bc = jnp.concatenate([bz[l], bh[l]]).reshape(1, 2 * D)
        if l + 1 < L:
            X, xc = _gate_scale_kernel(X, ab[0, :N], ab[1, :N], wcat(l), bc,
                                       ro, ri)
            xcat = xc.reshape(NC * N, D)
        else:
            X = _gate_kernel(X, ab[0, :N], ab[1, :N], wcat(l), bc)
    return X

# --- scband reference (transcript-rebuilt; emitter-appended) ---
"""Pipeline reference for scband-dcrnn-67250597921031 (READ-ONLY COPY).

The authoritative reference and input builder live on the scoring server;
editing this copy changes nothing except your own understanding.
"""

import jax, jax.numpy as jnp
import numpy as np

N_NODES = 10000
N_EDGES = 320000
D = 128
K = 2
L = 2


def _dconv(X, row, col, norm_out, norm_in, W, b):
    # Faithful port of torch_geometric_temporal DConv with edge_weight=None (unit weights).
    Tx_0 = X
    H = X @ W[0, 0] + X @ W[1, 0]
    Kk = W.shape[1]
    Tx_1_o = X
    Tx_1_i = X
    if Kk > 1:
        Tx_1_o = jnp.zeros_like(X).at[col].add(norm_out[:, None] * X[row])
        Tx_1_i = jnp.zeros_like(X).at[row].add(norm_in[:, None] * X[col])
        H = H + Tx_1_o @ W[0, 1] + Tx_1_i @ W[1, 1]
    for k in range(2, Kk):
        Tx_2_o = jnp.zeros_like(X).at[col].add(norm_out[:, None] * Tx_1_o[row])
        Tx_2_o = 2.0 * Tx_2_o - Tx_0
        Tx_2_i = jnp.zeros_like(X).at[row].add(norm_in[:, None] * Tx_1_i[col])
        Tx_2_i = 2.0 * Tx_2_i - Tx_0
        H = H + Tx_2_o @ W[0, k] + Tx_2_i @ W[1, k]
        Tx_0, Tx_1_o, Tx_1_i = Tx_1_o, Tx_2_o, Tx_2_i
    return H + b


def setup_inputs(seed: int = 0):
    key = jax.random.key(seed)
    ks = jax.random.split(key, 10)
    x = jax.random.normal(ks[0], (N_NODES, D), dtype=jnp.float32)
    edge_index = jax.random.randint(ks[1], (2, N_EDGES), 0, N_NODES).astype(jnp.int32)
    scale = 1.0 / np.sqrt(2 * D)
    Wz = jax.random.normal(ks[2], (L, 2, K, 2 * D, D), dtype=jnp.float32) * scale
    bz = jax.random.normal(ks[3], (L, D), dtype=jnp.float32) * 0.01
    Wr = jax.random.normal(ks[4], (L, 2, K, 2 * D, D), dtype=jnp.float32) * scale
    br = jax.random.normal(ks[5], (L, D), dtype=jnp.float32) * 0.01
    Wh = jax.random.normal(ks[6], (L, 2, K, 2 * D, D), dtype=jnp.float32) * scale
    bh = jax.random.normal(ks[7], (L, D), dtype=jnp.float32) * 0.01
    return {"x": x, "edge_index": edge_index, "Wz": Wz, "bz": bz, "Wr": Wr, "br": br, "Wh": Wh, "bh": bh}


def reference(x, edge_index, Wz, bz, Wr, br, Wh, bh):
    row, col = edge_index[0], edge_index[1]
    n = x.shape[0]
    ew = jnp.ones((row.shape[0],), dtype=x.dtype)
    deg_out = jnp.zeros((n,), dtype=x.dtype).at[row].add(ew)
    deg_in = jnp.zeros((n,), dtype=x.dtype).at[col].add(ew)
    norm_out = (1.0 / deg_out)[row]
    norm_in = (1.0 / deg_in)[col]
    output = x
    for l in range(L):
        # hidden_state is None in the torch module -> zeros per DCRNN cell
        H = jnp.zeros((n, D), dtype=x.dtype)
        XH = jnp.concatenate([output, H], axis=1)
        Z = jax.nn.sigmoid(_dconv(XH, row, col, norm_out, norm_in, Wz[l], bz[l]))
        R = jax.nn.sigmoid(_dconv(XH, row, col, norm_out, norm_in, Wr[l], br[l]))
        XHR = jnp.concatenate([output, H * R], axis=1)
        Ht = jnp.tanh(_dconv(XHR, row, col, norm_out, norm_in, Wh[l], bh[l]))
        output = Z * H + (1.0 - Z) * Ht
    return output

if __name__ == "__main__":
    import jax
    _d = setup_inputs()
    print(jax.jit(kernel)(*tuple(_d.values())))

</pallas_src>

<mosaic_0001>
#map = affine_map<(d0, d1) -> (0, 0, 0, 0)>
#map1 = affine_map<(d0, d1) -> (0, 0, 0)>
module attributes {stable_mosaic.version = 14 : i64} {
  func.func @_deg_body(%arg0: i32, %arg1: i32, %arg2: memref<2x16x1x20000xi32, #tpu.memory_space<hbm>>, %arg3: memref<2x1x10240xf32, #tpu.memory_space<hbm>>, %arg4: memref<20000xi32, #tpu.memory_space<vmem>>, %arg5: memref<10240xf32, #tpu.memory_space<vmem>>, %arg6: memref<640xf32, #tpu.memory_space<vmem>>, %arg7: memref<16x1x10240xf32, #tpu.memory_space<vmem_shared>>, %arg8: memref<!tpu.dma_semaphore, #tpu.memory_space<semaphore_mem>>) attributes {dimension_semantics = [#tpu.dimension_semantics<core_parallel>, #tpu.dimension_semantics<subcore_parallel>], iteration_bounds = array<i64: 2, 16>, scalar_prefetch = 0 : i64, scratch_operands = 5 : i64, tpu.core_type = #tpu.core_type<sc_vector_subcore>, window_params = [{transform_indices = #map}, {transform_indices = #map1}]} {
    %broadcast_in_dim3A = arith.constant 1.000000e+00 : f32
    %broadcast_in_dim3A_0 = vector.broadcast %broadcast_in_dim3A : f32 to vector<16xf32>
    %broadcast_in_dim3A_1 = arith.constant 0.000000e+00 : f32
    %broadcast_in_dim3A_2 = vector.broadcast %broadcast_in_dim3A_1 : f32 to vector<16xf32>
    %scan3A = arith.constant 0 : i32
    %scan3A_3 = arith.constant 0 : i32
    %scan3A_4 = arith.constant 640 : i32
    %scan3A_5 = arith.addi %scan3A_3, %scan3A_4 : i32
    %scan3A_6 = arith.constant 1 : i32
    %scan3A_7 = scf.for %scan3A_40 = %scan3A_3 to %scan3A_5 step %scan3A_6 iter_args(%scan3A_41 = %scan3A) -> (i32)  : i32 {
      %mul3A_42 = arith.constant 16 : i32
      %mul3A_43 = arith.muli %scan3A_40, %mul3A_42 : i32
      %swap3A = arith.index_cast %mul3A_43 : i32 to index
      %swap3A_44 = tpu.vector_load %arg5[%swap3A] {strides = array<i32>} : memref<10240xf32, #tpu.memory_space<vmem>>, vector<16xf32>,
      tpu.vector_store %arg5[%swap3A], %broadcast_in_dim3A_2 {strides = array<i32>} : memref<10240xf32, #tpu.memory_space<vmem>>, vector<16xf32>,
      %scan3A_45 = arith.constant 0 : i32
      scf.yield %scan3A_45 : i32
    }
    %scan3A_8 = arith.constant 640 : i32
    %run_scoped3A = arith.constant 0 : i32
    "tpu.region"() ({
      %run_scoped3A_40 = tpu.sem_alloc : memref<!tpu.dma_semaphore, #tpu.memory_space<semaphore_mem>>
      %dma_start3A = arith.constant 0 : i32
      %dma_start3A_41 = tpu.memref_slice %arg2[%arg0, %arg1, %run_scoped3A, %dma_start3A] : memref<2x16x1x20000xi32, #tpu.memory_space<hbm>> -> memref<1x1x1x20000xi32, #tpu.memory_space<hbm>>
      %dma_start3A_42 = tpu.memref_squeeze %dma_start3A_41 : memref<1x1x1x20000xi32, #tpu.memory_space<hbm>> -> memref<20000xi32, #tpu.memory_space<hbm>>
      %dma_start3A_43 = arith.constant 0 : i32
      %dma_start3A_44 = tpu.memref_slice %arg2[%arg0, %arg1, %run_scoped3A, %dma_start3A_43] : memref<2x16x1x20000xi32, #tpu.memory_space<hbm>> -> memref<1x1x1x20000xi32, #tpu.memory_space<hbm>>
      %dma_start3A_45 = tpu.memref_squeeze %dma_start3A_44 : memref<1x1x1x20000xi32, #tpu.memory_space<hbm>> -> memref<20000xi32, #tpu.memory_space<hbm>>
      tpu.enqueue_dma source(%dma_start3A_45 : memref<20000xi32, #tpu.memory_space<hbm>>) target(%arg4 : memref<20000xi32, #tpu.memory_space<vmem>>) target_semaphore(%run_scoped3A_40 : memref<!tpu.dma_semaphore, #tpu.memory_space<semaphore_mem>>)
      %dma_wait3A = arith.constant 0 : i32
      %dma_wait3A_46 = tpu.memref_slice %arg2[%arg0, %arg1, %run_scoped3A, %dma_wait3A] : memref<2x16x1x20000xi32, #tpu.memory_space<hbm>> -> memref<1x1x1x20000xi32, #tpu.memory_space<hbm>>
      %dma_wait3A_47 = tpu.memref_squeeze %dma_wait3A_46 : memref<1x1x1x20000xi32, #tpu.memory_space<hbm>> -> memref<20000xi32, #tpu.memory_space<hbm>>
      %dma_wait3A_48 = arith.constant 0 : i32
      %dma_wait3A_49 = tpu.memref_slice %arg2[%arg0, %arg1, %run_scoped3A, %dma_wait3A_48] : memref<2x16x1x20000xi32, #tpu.memory_space<hbm>> -> memref<1x1x1x20000xi32, #tpu.memory_space<hbm>>
      %dma_wait3A_50 = tpu.memref_squeeze %dma_wait3A_49 : memref<1x1x1x20000xi32, #tpu.memory_space<hbm>> -> memref<20000xi32, #tpu.memory_space<hbm>>
      tpu.wait_dma2 semaphore(%run_scoped3A_40 : memref<!tpu.dma_semaphore, #tpu.memory_space<semaphore_mem>>) src(%dma_wait3A_50 : memref<20000xi32, #tpu.memory_space<hbm>>) dst(%arg4 : memref<20000xi32, #tpu.memory_space<vmem>>)
      tpu.yield
    }) : () -> ()
    %scan3A_9 = arith.constant 0 : i32
    %scan3A_10 = arith.constant 0 : i32
    %scan3A_11 = arith.constant 1250 : i32
    %scan3A_12 = arith.addi %scan3A_10, %scan3A_11 : i32
    %scan3A_13 = arith.constant 1 : i32
    %scan3A_14 = scf.for %scan3A_40 = %scan3A_10 to %scan3A_12 step %scan3A_13 iter_args(%scan3A_41 = %scan3A_9) -> (i32)  : i32 {
      %mul3A_42 = arith.constant 16 : i32
      %mul3A_43 = arith.muli %scan3A_40, %mul3A_42 : i32
      %get3A = arith.index_cast %mul3A_43 : i32 to index
      %get3A_44 = tpu.vector_load %arg4[%get3A] {strides = array<i32>} : memref<20000xi32, #tpu.memory_space<vmem>>, vector<16xi32>,
      tpu.vector_store_idx %arg5[%get3A_44], %broadcast_in_dim3A_0 {add = true} : memref<10240xf32, #tpu.memory_space<vmem>>[vector<16xi32>], vector<16xf32>,
      %scan3A_45 = arith.constant 0 : i32
      scf.yield %scan3A_45 : i32
    }
    %scan3A_15 = arith.constant 1250 : i32
    %run_scoped3A_16 = arith.constant 0 : i32
    "tpu.region"() ({
      %run_scoped3A_40 = tpu.sem_alloc : memref<!tpu.dma_semaphore, #tpu.memory_space<semaphore_mem>>
      %dma_start3A = arith.constant 0 : i32
      %dma_start3A_41 = tpu.memref_slice %arg7[%arg1, %run_scoped3A_16, %dma_start3A] : memref<16x1x10240xf32, #tpu.memory_space<vmem_shared>> -> memref<1x1x10240xf32, #tpu.memory_space<vmem_shared>>
      %dma_start3A_42 = tpu.memref_squeeze %dma_start3A_41 : memref<1x1x10240xf32, #tpu.memory_space<vmem_shared>> -> memref<10240xf32, #tpu.memory_space<vmem_shared>>
      %dma_start3A_43 = arith.constant 0 : i32
      %dma_start3A_44 = tpu.memref_slice %arg7[%arg1, %run_scoped3A_16, %dma_start3A_43] : memref<16x1x10240xf32, #tpu.memory_space<vmem_shared>> -> memref<1x1x10240xf32, #tpu.memory_space<vmem_shared>>
      %dma_start3A_45 = tpu.memref_squeeze %dma_start3A_44 : memref<1x1x10240xf32, #tpu.memory_space<vmem_shared>> -> memref<10240xf32, #tpu.memory_space<vmem_shared>>
      tpu.enqueue_dma source(%arg5 : memref<10240xf32, #tpu.memory_space<vmem>>) target(%dma_start3A_45 : memref<10240xf32, #tpu.memory_space<vmem_shared>>) target_semaphore(%run_scoped3A_40 : memref<!tpu.dma_semaphore, #tpu.memory_space<semaphore_mem>>)
      %dma_wait3A = arith.constant 0 : i32
      %dma_wait3A_46 = tpu.memref_slice %arg7[%arg1, %run_scoped3A_16, %dma_wait3A] : memref<16x1x10240xf32, #tpu.memory_space<vmem_shared>> -> memref<1x1x10240xf32, #tpu.memory_space<vmem_shared>>
      %dma_wait3A_47 = tpu.memref_squeeze %dma_wait3A_46 : memref<1x1x10240xf32, #tpu.memory_space<vmem_shared>> -> memref<10240xf32, #tpu.memory_space<vmem_shared>>
      %dma_wait3A_48 = arith.constant 0 : i32
      %dma_wait3A_49 = tpu.memref_slice %arg7[%arg1, %run_scoped3A_16, %dma_wait3A_48] : memref<16x1x10240xf32, #tpu.memory_space<vmem_shared>> -> memref<1x1x10240xf32, #tpu.memory_space<vmem_shared>>
      %dma_wait3A_50 = tpu.memref_squeeze %dma_wait3A_49 : memref<1x1x10240xf32, #tpu.memory_space<vmem_shared>> -> memref<10240xf32, #tpu.memory_space<vmem_shared>>
      tpu.wait_dma2 semaphore(%run_scoped3A_40 : memref<!tpu.dma_semaphore, #tpu.memory_space<semaphore_mem>>) src(%arg5 : memref<10240xf32, #tpu.memory_space<vmem>>) dst(%dma_wait3A_50 : memref<10240xf32, #tpu.memory_space<vmem_shared>>)
      tpu.yield
    }) : () -> ()
    %barrier3A = arith.constant 0 : index
    tpu.barrier barrier_id(%barrier3A)
    %mul3A = arith.constant 640 : i32
    %mul3A_17 = arith.muli %arg1, %mul3A : i32
    %multiple_of3A = tpu.assume_multiple %mul3A_17, 128 : i32
    %scan3A_18 = arith.constant 0 : i32
    %scan3A_19 = arith.constant 0 : i32
    %scan3A_20 = arith.constant 40 : i32
    %scan3A_21 = arith.addi %scan3A_19, %scan3A_20 : i32
    %scan3A_22 = arith.constant 1 : i32
    %scan3A_23 = scf.for %scan3A_40 = %scan3A_19 to %scan3A_21 step %scan3A_22 iter_args(%scan3A_41 = %scan3A_18) -> (i32)  : i32 {
      %mul3A_42 = arith.constant 16 : i32
      %mul3A_43 = arith.muli %scan3A_40, %mul3A_42 : i32
      %swap3A = arith.index_cast %mul3A_43 : i32 to index
      %swap3A_44 = tpu.vector_load %arg5[%swap3A] {strides = array<i32>} : memref<10240xf32, #tpu.memory_space<vmem>>, vector<16xf32>,
      tpu.vector_store %arg5[%swap3A], %broadcast_in_dim3A_2 {strides = array<i32>} : memref<10240xf32, #tpu.memory_space<vmem>>, vector<16xf32>,
      %scan3A_45 = arith.constant 0 : i32
      scf.yield %scan3A_45 : i32
    }
    %scan3A_24 = arith.constant 40 : i32
    %scan3A_25 = arith.constant 0 : i32
    %scan3A_26 = arith.constant 0 : i32
    %scan3A_27 = arith.constant 16 : i32
    %scan3A_28 = arith.addi %scan3A_26, %scan3A_27 : i32
    %scan3A_29 = arith.constant 1 : i32
    %scan3A_30 = scf.for %scan3A_40 = %scan3A_26 to %scan3A_28 step %scan3A_29 iter_args(%scan3A_41 = %scan3A_25) -> (i32)  : i32 {
      %run_scoped3A_42 = arith.constant 0 : i32
      "tpu.region"() ({
        %run_scoped3A_51 = tpu.sem_alloc : memref<!tpu.dma_semaphore, #tpu.memory_space<semaphore_mem>>
        %dma_start3A = tpu.memref_slice %arg7[%scan3A_40, %run_scoped3A_42, %multiple_of3A] : memref<16x1x10240xf32, #tpu.memory_space<vmem_shared>> -> memref<1x1x640xf32, #tpu.memory_space<vmem_shared>>
        %dma_start3A_52 = tpu.memref_squeeze %dma_start3A : memref<1x1x640xf32, #tpu.memory_space<vmem_shared>> -> memref<640xf32, #tpu.memory_space<vmem_shared>>
        %dma_start3A_53 = tpu.memref_slice %arg7[%scan3A_40, %run_scoped3A_42, %multiple_of3A] : memref<16x1x10240xf32, #tpu.memory_space<vmem_shared>> -> memref<1x1x640xf32, #tpu.memory_space<vmem_shared>>
        %dma_start3A_54 = tpu.memref_squeeze %dma_start3A_53 : memref<1x1x640xf32, #tpu.memory_space<vmem_shared>> -> memref<640xf32, #tpu.memory_space<vmem_shared>>
        tpu.enqueue_dma source(%dma_start3A_54 : memref<640xf32, #tpu.memory_space<vmem_shared>>) target(%arg6 : memref<640xf32, #tpu.memory_space<vmem>>) target_semaphore(%run_scoped3A_51 : memref<!tpu.dma_semaphore, #tpu.memory_space<semaphore_mem>>)
        %dma_wait3A = tpu.memref_slice %arg7[%scan3A_40, %run_scoped3A_42, %multiple_of3A] : memref<16x1x10240xf32, #tpu.memory_space<vmem_shared>> -> memref<1x1x640xf32, #tpu.memory_space<vmem_shared>>
        %dma_wait3A_55 = tpu.memref_squeeze %dma_wait3A : memref<1x1x640xf32, #tpu.memory_space<vmem_shared>> -> memref<640xf32, #tpu.memory_space<vmem_shared>>
        %dma_wait3A_56 = tpu.memref_slice %arg7[%scan3A_40, %run_scoped3A_42, %multiple_of3A] : memref<16x1x10240xf32, #tpu.memory_space<vmem_shared>> -> memref<1x1x640xf32, #tpu.memory_space<vmem_shared>>
        %dma_wait3A_57 = tpu.memref_squeeze %dma_wait3A_56 : memref<1x1x640xf32, #tpu.memory_space<vmem_shared>> -> memref<640xf32, #tpu.memory_space<vmem_shared>>
        tpu.wait_dma2 semaphore(%run_scoped3A_51 : memref<!tpu.dma_semaphore, #tpu.memory_space<semaphore_mem>>) src(%dma_wait3A_57 : memref<640xf32, #tpu.memory_space<vmem_shared>>) dst(%arg6 : memref<640xf32, #tpu.memory_space<vmem>>)
        tpu.yield
      }) : () -> ()
      %scan3A_43 = arith.constant 0 : i32
      %scan3A_44 = arith.constant 0 : i32
      %scan3A_45 = arith.constant 40 : i32
      %scan3A_46 = arith.addi %scan3A_44, %scan3A_45 : i32
      %scan3A_47 = arith.constant 1 : i32
      %scan3A_48 = scf.for %scan3A_51 = %scan3A_44 to %scan3A_46 step %scan3A_47 iter_args(%scan3A_52 = %scan3A_43) -> (i32)  : i32 {
        %mul3A_53 = arith.constant 16 : i32
        %mul3A_54 = arith.muli %scan3A_51, %mul3A_53 : i32
        %get3A = arith.index_cast %mul3A_54 : i32 to index
        %get3A_55 = tpu.vector_load %arg5[%get3A] {strides = array<i32>} : memref<10240xf32, #tpu.memory_space<vmem>>, vector<16xf32>,
        %get3A_56 = arith.index_cast %mul3A_54 : i32 to index
        %get3A_57 = tpu.vector_load %arg6[%get3A_56] {strides = array<i32>} : memref<640xf32, #tpu.memory_space<vmem>>, vector<16xf32>,
        %add3A = arith.addf %get3A_55, %get3A_57 : vector<16xf32>
        %swap3A = arith.index_cast %mul3A_54 : i32 to index
        %swap3A_58 = tpu.vector_load %arg5[%swap3A] {strides = array<i32>} : memref<10240xf32, #tpu.memory_space<vmem>>, vector<16xf32>,
        tpu.vector_store %arg5[%swap3A], %add3A {strides = array<i32>} : memref<10240xf32, #tpu.memory_space<vmem>>, vector<16xf32>,
        %scan3A_59 = arith.constant 0 : i32
        scf.yield %scan3A_59 : i32
      }
      %scan3A_49 = arith.constant 40 : i32
      %scan3A_50 = arith.constant 0 : i32
      scf.yield %scan3A_50 : i32
    }
    %scan3A_31 = arith.constant 16 : i32
    %scan3A_32 = arith.constant 0 : i32
    %scan3A_33 = arith.constant 0 : i32
    %scan3A_34 = arith.constant 40 : i32
    %scan3A_35 = arith.addi %scan3A_33, %scan3A_34 : i32
    %scan3A_36 = arith.constant 1 : i32
    %scan3A_37 = scf.for %scan3A_40 = %scan3A_33 to %scan3A_35 step %scan3A_36 iter_args(%scan3A_41 = %scan3A_32) -> (i32)  : i32 {
      %mul3A_42 = arith.constant 16 : i32
      %mul3A_43 = arith.muli %scan3A_40, %mul3A_42 : i32
      %get3A = arith.index_cast %mul3A_43 : i32 to index
      %get3A_44 = tpu.vector_load %arg5[%get3A] {strides = array<i32>} : memref<10240xf32, #tpu.memory_space<vmem>>, vector<16xf32>,
      %div3A = arith.constant 1.000000e+00 : f32
      %div3A_45 = vector.broadcast %div3A : f32 to vector<16xf32>
      %div3A_46 = arith.divf %div3A_45, %get3A_44 : vector<16xf32>
      %swap3A = arith.index_cast %mul3A_43 : i32 to index
      %swap3A_47 = tpu.vector_load %arg6[%swap3A] {strides = array<i32>} : memref<640xf32, #tpu.memory_space<vmem>>, vector<16xf32>,
      tpu.vector_store %arg6[%swap3A], %div3A_46 {strides = array<i32>} : memref<640xf32, #tpu.memory_space<vmem>>, vector<16xf32>,
      %scan3A_48 = arith.constant 0 : i32
      scf.yield %scan3A_48 : i32
    }
    %scan3A_38 = arith.constant 40 : i32
    %run_scoped3A_39 = arith.constant 0 : i32
    "tpu.region"() ({
      %run_scoped3A_40 = tpu.sem_alloc : memref<!tpu.dma_semaphore, #tpu.memory_space<semaphore_mem>>
      %dma_start3A = tpu.memref_slice %arg3[%arg0, %run_scoped3A_39, %multiple_of3A] : memref<2x1x10240xf32, #tpu.memory_space<hbm>> -> memref<1x1x640xf32, #tpu.memory_space<hbm>>
      %dma_start3A_41 = tpu.memref_squeeze %dma_start3A : memref<1x1x640xf32, #tpu.memory_space<hbm>> -> memref<640xf32, #tpu.memory_space<hbm>>
      %dma_start3A_42 = tpu.memref_slice %arg3[%arg0, %run_scoped3A_39, %multiple_of3A] : memref<2x1x10240xf32, #tpu.memory_space<hbm>> -> memref<1x1x640xf32, #tpu.memory_space<hbm>>
      %dma_start3A_43 = tpu.memref_squeeze %dma_start3A_42 : memref<1x1x640xf32, #tpu.memory_space<hbm>> -> memref<640xf32, #tpu.memory_space<hbm>>
      tpu.enqueue_dma source(%arg6 : memref<640xf32, #tpu.memory_space<vmem>>) target(%dma_start3A_43 : memref<640xf32, #tpu.memory_space<hbm>>) target_semaphore(%run_scoped3A_40 : memref<!tpu.dma_semaphore, #tpu.memory_space<semaphore_mem>>)
      %dma_wait3A = tpu.memref_slice %arg3[%arg0, %run_scoped3A_39, %multiple_of3A] : memref<2x1x10240xf32, #tpu.memory_space<hbm>> -> memref<1x1x640xf32, #tpu.memory_space<hbm>>
      %dma_wait3A_44 = tpu.memref_squeeze %dma_wait3A : memref<1x1x640xf32, #tpu.memory_space<hbm>> -> memref<640xf32, #tpu.memory_space<hbm>>
      %dma_wait3A_45 = tpu.memref_slice %arg3[%arg0, %run_scoped3A_39, %multiple_of3A] : memref<2x1x10240xf32, #tpu.memory_space<hbm>> -> memref<1x1x640xf32, #tpu.memory_space<hbm>>
      %dma_wait3A_46 = tpu.memref_squeeze %dma_wait3A_45 : memref<1x1x640xf32, #tpu.memory_space<hbm>> -> memref<640xf32, #tpu.memory_space<hbm>>
      tpu.wait_dma2 semaphore(%run_scoped3A_40 : memref<!tpu.dma_semaphore, #tpu.memory_space<semaphore_mem>>) src(%arg6 : memref<640xf32, #tpu.memory_space<vmem>>) dst(%dma_wait3A_46 : memref<640xf32, #tpu.memory_space<hbm>>)
      tpu.yield
    }) : () -> ()
    return
  }
}

</mosaic_0001>

<sc_bundles>
// kernel: _deg_kernel.3.cloned.1.call-start
scs
__scs_entry_jumppad:
0x0: {  	(pc) =	sbr.rel $0x88, $3  }
0x1: {  	(tag) =	ssettag $0x0;
	lr =	simm.s32 $0x1  }
0x2: {  	[smem:$0x3FA0] =	sst lr;
	_ =	strace $0xD0000000  }
0x3: {  	_ = 	snop  }
0x4: {  	_ = 	snop  }
0x5: {  	_ = 	snop  }
0x6: {  	_ = 	snop  }
0x7: {  	_ = 	snop  }
__scs_overlays_trampoline_lowered:
0x8: {  	[smem:$0x3FAF] =	sst s0  }
0x9: {  	[smem:$0x3FB0] =	sst s1  }
0xa: {  	[smem:$0x3FB1] =	sst s2  }
0xb: {  	[smem:$0x3FB2] =	sst s3  }
0xc: {  	[smem:$0x3FB3] =	sst s4  }
0xd: {  	[smem:$0x3FB4] =	sst s5  }
0xe: {  	[smem:$0x3FB5] =	sst s6  }
0xf: {  	[smem:$0x3FB6] =	sst s7  }
0x10: {  	[smem:$0x3FB7] =	sst s8  }
0x11: {  	[smem:$0x3FB8] =	sst s9;
	s0 =	simm.s32 @!p0 $0x0  }
0x12: {  	s1 =	sld [smem:$0x3F9E];
	s0 =	simm.s32 @p0 $0x1  }
0x13: {  	[smem:$0x3FB9] =	sst s0;
	s0 =	simm.s32 @!p1 $0x0  }
0x14: {  	s2 =	sld [smem:$0x3F9D];
	s0 =	simm.s32 @p1 $0x1  }
0x15: {  	[smem:$0x3FBA] =	sst s0;
	s0 =	simm.s32 @!p2 $0x0  }
0x16: {  	s3 =	sld [smem:$0x3FDB];
	s0 =	simm.s32 @p2 $0x1  }
0x17: {  	s4 =	simm.s32 $0x1BF5;
	[smem:$0x3FBC] =	sst s0  }
0x18: {  	s0 =	sld [smem:$0x3F9F];
	_ =	swait.ge [sflag:s4], $0x0  }
0x19: {  	s7 =	sld [smem:$0x3FA0]  }
0x1a: {  	s8 =	sadd.s32 $0xFFFFE003, lr  }
0x1b: {  	s9 =	sadd.s32 $0xFFFFFEF7, lr;
	s5 =	simm.s32 $0xFFFFFFFF;
	p2 =	slt.u32 s8, $0xFFFFF086  }
0x1c: {  	p1 =	slt.u32 s9, $0xF7A;
	s5 =	simm.s32 @!p2 $0x0  }
0x1d: {  	s5 =	simm.s32 @p1 $0x1;
	p0 =	seq.s32 s7, s2  }
0x1e: {  	s7 =	smul.u32 @!p0 $0xF7A, s2;
	p2 =	seq.s32 @!p0 s5, $0x0  }
0x1f: {  	s9 =	smul.u32 $0xF7A, s1;
	s8 =	simm.s32 @!p0 $0x1BF5;
	p2 =	por !p2, p0  }
0x20: {  	[sflag:s8] =	ssyncset.s32 @!p0 $0xFFFFF086;
	s6 =	sadd.s32 @!p0 s3, s7;
	s7 =	simm.s32 @!p0 $0x108  }
0x21: {  	s3 =	sadd.s32 s3, s9;
	s6 =	sadd.s32 @!p0 $0x88, s6;
	s7 =	simm.s32 @p2 $0x1082  }
0x22: {  	[simem:s7], [sflag:s8] =	dma.local @!p0 [hbm:s6], $0xF7A  }
0x23: {  	s9 =	sor.u32 $0xD0000000, s2;
	s6 =	simm.s32 $0x108;
	_ =	swait.ge @!p0 [sflag:s8], $0x0  }
0x24: {  	s3 =	sadd.s32 $0x88, s3;
	s6 =	simm.s32 @!p1 $0x1082;
	[sflag:s4] =	ssyncset.s32 $0xFFFFF086  }
0x25: {  	[simem:s6], [sflag:s4] =	dma.local [hbm:s3], $0xF7A  }
0x26: {  	[smem:$0x3FA0] =	sst s1;
	(tag) =	ssettag s2;
	_ =	strace s9  }
0x27: {  	s1 =	sld [smem:$0x3FB0]  }
0x28: {  	s2 =	sld [smem:$0x3FB1]  }
0x29: {  	s4 =	sld [smem:$0x3FB3]  }
0x2a: {  	p0 =	seq.s32 s5, $0x0;
	s5 =	sld [smem:$0x3FB4]  }
0x2b: {  	s6 =	sld [smem:$0x3FB5]  }
0x2c: {  	s7 =	sld [smem:$0x3FB6]  }
0x2d: {  	s3 =	simm.s32 $0x108;
	s8 =	sld [smem:$0x3FB7]  }
0x2e: {  	s3 =	simm.s32 @!p0 $0x1082;
	s9 =	sld [smem:$0x3FB8]  }
0x2f: {  	lr =	sadd.s32 s0, s3;
	s0 =	sld [smem:$0x3FAF]  }
0x30: {  	s3 =	sld [smem:$0x3FB2]  }
0x31: {  	[smem:$0x3FBB] =	sst s10  }
0x32: {  	s10 =	sld [smem:$0x3FB9];
	_ =	sdelay $0x3  }
0x33: {  	p0 =	seq.s32 s10, $0x1;
	s10 =	sld [smem:$0x3FBB];
	_ =	sdelay $0x3  }
0x34: {  	[smem:$0x3FBB] =	sst s10  }
0x35: {  	s10 =	sld [smem:$0x3FBA];
	_ =	sdelay $0x3  }
0x36: {  	p1 =	seq.s32 s10, $0x1;
	s10 =	sld [smem:$0x3FBB];
	_ =	sdelay $0x3  }
0x37: {  	[smem:$0x3FBB] =	sst s10  }
0x38: {  	s10 =	sld [smem:$0x3FBC]  }
0x39: {  	_ = 	snop;
	(pc) =	sbr.ind lr, $3  }
0x3a: {  	_ = 	snop  }
0x3b: {  	_ = 	snop  }
0x3c: {  	p2 =	seq.s32 s10, $0x1;
	s10 =	sld [smem:$0x3FBB]  }
0x3d: {  	_ =	shalt  }
0x3e: {  	_ =	shalt  }
0x3f: {  	_ =	shalt  }
0x40: {  	_ =	shalt  }
0x41: {  	_ =	shalt  }
0x42: {  	_ =	shalt  }
0x43: {  	_ =	shalt  }
0x44: {  	_ =	shalt  }
0x45: {  	_ =	shalt  }
0x46: {  	_ =	shalt  }
0x47: {  	_ =	shalt  }
0x48: {  	_ =	shalt  }
0x49: {  	_ =	shalt  }
0x4a: {  	_ =	shalt  }
0x4b: {  	_ =	shalt  }
0x4c: {  	_ =	shalt  }
0x4d: {  	_ =	shalt  }
0x4e: {  	_ =	shalt  }
0x4f: {  	_ =	shalt  }
0x50: {  	_ =	shalt  }
0x51: {  	_ =	shalt  }
0x52: {  	_ =	shalt  }
0x53: {  	_ =	shalt  }
0x54: {  	_ =	shalt  }
0x55: {  	_ =	shalt  }
0x56: {  	_ =	shalt  }
0x57: {  	_ =	shalt  }
0x58: {  	_ =	shalt  }
0x59: {  	_ =	shalt  }
0x5a: {  	_ =	shalt  }
0x5b: {  	_ =	shalt  }
0x5c: {  	_ =	shalt  }
0x5d: {  	_ =	shalt  }
0x5e: {  	_ =	shalt  }
0x5f: {  	_ =	shalt  }
0x60: {  	_ =	shalt  }
0x61: {  	_ =	shalt  }
0x62: {  	_ =	shalt  }
0x63: {  	_ =	shalt  }
0x64: {  	_ =	shalt  }
0x65: {  	_ =	shalt  }
0x66: {  	_ =	shalt  }
0x67: {  	_ =	shalt  }
0x68: {  	_ =	shalt  }
0x69: {  	_ =	shalt  }
0x6a: {  	_ =	shalt  }
0x6b: {  	_ =	shalt  }
0x6c: {  	_ =	shalt  }
0x6d: {  	_ =	shalt  }
0x6e: {  	_ =	shalt  }
0x6f: {  	_ =	shalt  }
0x70: {  	_ =	shalt  }
0x71: {  	_ =	shalt  }
0x72: {  	_ =	shalt  }
0x73: {  	_ =	shalt  }
0x74: {  	_ =	shalt  }
0x75: {  	_ =	shalt  }
0x76: {  	_ =	shalt  }
0x77: {  	_ =	shalt  }
0x78: {  	_ =	shalt  }
0x79: {  	_ =	shalt  }
0x7a: {  	_ =	shalt  }
0x7b: {  	_ =	shalt  }
0x7c: {  	_ =	shalt  }
0x7d: {  	_ =	shalt  }
0x7e: {  	_ =	shalt  }
0x7f: {  	_ =	shalt  }
0x80: {  	_ =	shalt  }
0x81: {  	_ =	shalt  }
0x82: {  	_ =	shalt  }
0x83: {  	_ =	shalt  }
0x84: {  	_ =	shalt  }
0x85: {  	_ =	shalt  }
0x86: {  	_ =	shalt  }
0x87: {  	_ =	shalt  }
.Lfunc_end0:
.L_simem_size_0:
called_computation_lowered:
.L_overlay_start_0:
0x88: {  	s2 =	sld [smem:$0x3FD9]  }
0x89: {  	s3 =	sld [smem:$0x3FFE];
	_ =	sdelay $0x1  }
0x8a: {  	s1 =	srdreg.scid  }
0x8b: {  	s0 =	sand.u32 $0x1, s1  }
0x8c: {  	s18 =	sshll.u32 s0, $0xA;
	s2 =	sadd.s32 s3, s2  }
0x8d: {  	s2 =	sadd.s32 s2, s18  }
0x8e: {  	[smem:$0x3FC7] =	sst s2  }
0x8f: {  	_ = 	snop  }
0x90: {  	s2 =	sld [smem:$0x3FC9]  }
0x91: {  	s19 =	sld [smem:$0x3FD0];
	(tm) =	ssettm $0x1  }
0x92: {  	s4 =	sld [smem:$0x3FFB];
	_ =	sdelay $0x3  }
0x93: {  	_ =	strace s4  }
0x94: {  	s4 =	sld [smem:$0x3FFC];
	_ =	sdelay $0x3  }
0x95: {  	_ =	strace s4  }
0x96: {  	s4 =	sld [smem:$0x3FFD];
	_ =	sdelay $0x3  }
0x97: {  	_ =	strace s4  }
0x98: {  	_ =	strace $0x8FFFFFFF  }
0x99: {  	s20 =	sld [smem:$0x3FDB];
	_ =	sdelay $0x1  }
0x9a: {  	s5 =	simm.s32 $_scs_section_size  }
0x9b: {  	s6 =	simm.s32 $_size__tile_overlayer_lowered;
	s7 =	simm.s32 $_tile_overlayer_lowered  }
0x9c: {  	s23 =	simm.s32 $0x1BFF;
	s22 =	sshll.u32 s7, $0x1;
	s4 =	sadd.s32 s5, s20  }
0x9d: {  	s8 =	simm.s32 $0x0;
	s21 =	sshll.u32 s6, $0x1;
	s6 =	sadd.s32 s22, s4  }
0x9e: {  	[timem:s8], [sflag:s23] =	dma.local [hbm:s6], s21  }
0x9f: {  	_ =	swait.ge [sflag:s23], s21  }
0xa0: {  	s5 =	ssub.s32 $0x0, s21;
	[sflag:s23] =	ssyncset.done $0x0  }
0xa1: {  	[sflag:s23] =	ssyncadd.s32 s5;
	_ =	sdelay $0x1  }
0xa2: {  	s24 =	simm.s32 $0x1B8B  }
0xa3: {  	_ =	swait.ge [sflag:s24], $0x1  }
0xa4: {  	[sflag:s24] =	ssyncset.done $0x0  }
0xa5: {  	s25 =	simm.s32 $0x1B8E;
	[sflag:s24] =	ssyncadd.s32 $0xFFFFFFFF  }
0xa6: {  	s26 =	simm.s32 $execute0_lowered;
	[smem:$0x3FD2] =	sst s25  }
0xa7: {  	s5 =	sshll.u32 s26, $0x1;
	_ =	strace $0x80000046;
	[dreg:$0x1] =	wrdreg $0xFFFFFFFF  }
0xa8: {  	s28 =	simm.s32 $_size_execute0_lowered;
	s4 =	sadd.s32 s4, s5;
	[dreg:$0x0] =	wrdreg $0x0  }
0xa9: {  	s5 =	sshll.u32 s28, $0x1;
	[dreg:$0x2] =	wrdreg s4  }
0xaa: {  	[dreg:$0x3] =	wrdreg s5  }
0xab: {  	[dreg:$0x4] =	wrdreg $0xC0  }
0xac: {  	_ =	task [dreg:s8], $0x5FFFF  }
0xad: {  	[dreg:$0x1] =	wrdreg $0xFFFFFFFF  }
0xae: {  	[dreg:$0x0] =	wrdreg $0x60  }
0xaf: {  	[dreg:$0x2] =	wrdreg s2  }
0xb0: {  	[dreg:$0x3] =	wrdreg s19  }
0xb1: {  	[dreg:$0x4] =	wrdreg $0x79000  }
0xb2: {  	[dreg:$0x5] =	wrdreg $0x9  }
0xb3: {  	_ =	task.clear_ibuf [dreg:s8], $0x6FFFF;
	_ =	strace $0x90000046  }
0xb4: {  	s29 =	simm.s32 $0x9;
	_ =	strace $0x80000048  }
0xb5: {  	_ =	swait.ge [sflag:s29], $0x1  }
0xb6: {  	[sflag:s29] =	ssyncadd.s32 $0xFFFFFFFF  }
0xb7: {  	_ =	strace $0x90000048  }
0xb8: {  	_ =	sfence  }
0xb9: {  	s30 =	sld [smem:$0x0];
	_ =	sdelay $0x2  }
0xba: {  	s31 =	sshll.u32 s1, $0xD;
	s1 =	sshrl.u32 s1, $0x2  }
0xbb: {  	s3 =	sand.u32 $0x4000, s31;
	s1 =	sadd.s32 s1, s30  }
0xbc: {  	s0 =	sor.u32 s3, s0;
	s1 =	sshll.u32 s1, $0x11  }
0xbd: {  	s0 =	sor.u32 s1, s0  }
0xbe: {  	s0 =	sadd.s32 $0x8F2B, s0  }
0xbf: {  	[sflag:s0] =	ssyncadd.remote.s32 $0x1  }
0xc0: {  	_ =	sfence.sel $0xFFFF  }
0xc1: {  	[dreg:$0x0] =	wrdreg $0xFFFFFFFF;
	(pc) =	sbr.abs _section_cstart, $3  }
0xc2: {  	[dreg:$0x1] =	wrdreg $0xFFFFFFFF  }
0xc3: {  	_ =	task.clear_ibuf [dreg:s8], $0x2FFFF;
	_ =	strace $0x9FFFFFFF  }
0xc4: {  	(tm) =	ssettm $0x7FFFFFFF  }
0xc5: {  	_ =	shalt  }
tec
execute0_lowered:
.L_overlay_start_1:
0x0: {  	(tag) =	ssettag $0x1  }
0x1: {  	s3 =	rddreg [dreg:$0x0];
	s0 =	srdreg.scid  }
0x2: {  	s6 =	rddreg [dreg:$0x1];
	s4 =	sand.u32 $0x1, s0  }
0x3: {  	s0 =	stileid.u32;
	s5 =	smul.u32 $0x4E800, s4  }
0x4: {  	s7 =	rddreg [dreg:$0x2];
	s8 =	smul.u32 $0x4E80, s0  }
0x5: {  	s1 =	rddreg [dreg:$0x3];
	s2 =	simm.s32 $0x0;
	s9 =	smul.u32 $0xA000, s0  }
0x6: {  	[smem:$0x7FF] =	sst s2;
	s10 =	ssub.s32 $0x2, s4;
	s11 =	smul.u32 $0x280, s0  }
0x7: {  	s4 =	smul.u32 $0x2800, s4;
	_ =	strace $0x80000047;
	s28 =	sshrl.u32 s10, $0x1  }
0x8: {  	s5 =	sadd.s32 s8, s5;
	s8 =	ssub.s32 s10, s28;
	s29 =	sshrl.u32 s9, $0x2  }
0x9: {  	s30 =	sadd.s32 s11, s4;
	s9 =	simm.s32 $0x4E80;
	s10 =	simm.s32 $0x7680  }
0xa: {  	s5 =	sshrl.u32 s5, $0x3;
	s4 =	sadd.s32 s29, s7;
	s31 =	sshrl.u32 s30, $0x3  }
0xb: {  	s3 =	sadd.s32 s3, s5;
	s5 =	sadd.s32 s11, s7;
	s6 =	sadd.s32 s6, s31  }
0xc: {  	v0 =	vimm.f32 $0.0e+00;
	v1 =	vimm.f32 $1.000000000e+00;
	s7 =	smax.u32 s8, $0x1;
	s8 =	simm.s32 $0x1;
	s11 =	simm.s32 $0x0  }
.LBB2_1:
0xd: {  	s12 =	simm.s32 $0x40;
	s13 =	simm.s32 $0x0  }
.LBB2_2:
0xe: {  	p0 =	sne.s32 s12, $0x9FC0;
	[tilespmem:s13+$0x4E80] =	vst v0;
	s13 =	smov.u32 s12;
	s12 =	sadd.s32 $0x40, s12  }
.Ltmp0:
0xf: {  	(pc) =	sbr.rel @p0 .LBB2_2-.Ltmp0, $2  }
0x10: {  	_ =	sdelay $0x2  }
0x11: {  	s13 =	sshra.s32 s13, $0x2  }
0x12: {  	[tilespmem:s13+$0x4E80] =	vst v0;
	s12 =	simm.s32 $0x0  }
0x13: {  	[tilespmem:s12], [sflag:$0x1] =	stream.linear.gather [hbm4b:s3+s12], $0x4E80, $0x38;
	[tilespmem:$0xA100] =	vst v63  }
0x14: {  	_ =	swait.ge [sflag:s8], $0x4E80  }
0x15: {  	[sflag:s8] =	ssyncset.done $0x0  }
0x16: {  	s13 =	simm.s32 $0x0;
	s12 =	simm.s32 $0x40;
	[sflag:s8] =	ssyncadd.s32 $0xFFFFB180  }
.LBB2_4:
0x17: {  	p0 =	sne.s32 s12, $0x13840;
	v2 =	vld [tilespmem:s13+$0x0];
	_ =	sdelay $0x3  }
.Ltmp1:
0x18: {  	(pc) =	sbr.rel @p0 .LBB2_4-.Ltmp1, $2  }
0x19: {  	_ =	sdelay $0x2  }
0x1a: {  	s13 =	sshra.s32 s12, $0x2;
	s12 =	sadd.s32 $0x40, s12;
	[tilespmem:v2+s9+$0x0] =	vst.idx.add.f32.msk $0xffff, v1  }
0x1b: {  	v2 =	vld [tilespmem:s13+$0x0];
	_ =	sdelay $0x7  }
0x1c: {  	[tilespmem:v2+s9+$0x0] =	vst.idx.add.f32.msk $0xffff, v1  }
0x1d: {  	[spmem:s4] =	stream.linear.scatter [tilespmem:s9], [sflag:$0x1], $0x2800, $0x38;
	[tilespmem:$0xA100] =	vst v63  }
0x1e: {  	_ =	swait.ge [sflag:s8], $0x2800  }
0x1f: {  	[sflag:s8] =	ssyncset.done $0x0  }
0x20: {  	[sflag:s8] =	ssyncadd.s32 $0xFFFFD800  }
0x21: {  	[bflag:$0x0] =	sbarrier.arrive $0xFFFF  }
0x22: {  	[tilespmem:$0x4E80] =	vst v0  }
0x23: {  	[tilespmem:$0x4E90] =	vst v0  }
0x24: {  	[tilespmem:$0x4EA0] =	vst v0  }
0x25: {  	[tilespmem:$0x4EB0] =	vst v0  }
0x26: {  	[tilespmem:$0x4EC0] =	vst v0  }
0x27: {  	[tilespmem:$0x4ED0] =	vst v0  }
0x28: {  	[tilespmem:$0x4EE0] =	vst v0  }
0x29: {  	[tilespmem:$0x4EF0] =	vst v0  }
0x2a: {  	[tilespmem:$0x4F00] =	vst v0  }
0x2b: {  	[tilespmem:$0x4F10] =	vst v0  }
0x2c: {  	[tilespmem:$0x4F20] =	vst v0  }
0x2d: {  	[tilespmem:$0x4F30] =	vst v0  }
0x2e: {  	[tilespmem:$0x4F40] =	vst v0  }
0x2f: {  	[tilespmem:$0x4F50] =	vst v0  }
0x30: {  	[tilespmem:$0x4F60] =	vst v0  }
0x31: {  	[tilespmem:$0x4F70] =	vst v0  }
0x32: {  	[tilespmem:$0x4F80] =	vst v0  }
0x33: {  	[tilespmem:$0x4F90] =	vst v0  }
0x34: {  	[tilespmem:$0x4FA0] =	vst v0  }
0x35: {  	[tilespmem:$0x4FB0] =	vst v0  }
0x36: {  	[tilespmem:$0x4FC0] =	vst v0  }
0x37: {  	[tilespmem:$0x4FD0] =	vst v0  }
0x38: {  	[tilespmem:$0x4FE0] =	vst v0  }
0x39: {  	[tilespmem:$0x4FF0] =	vst v0  }
0x3a: {  	[tilespmem:$0x5000] =	vst v0  }
0x3b: {  	[tilespmem:$0x5010] =	vst v0  }
0x3c: {  	[tilespmem:$0x5020] =	vst v0  }
0x3d: {  	[tilespmem:$0x5030] =	vst v0  }
0x3e: {  	[tilespmem:$0x5040] =	vst v0  }
0x3f: {  	[tilespmem:$0x5050] =	vst v0  }
0x40: {  	[tilespmem:$0x5060] =	vst v0  }
0x41: {  	[tilespmem:$0x5070] =	vst v0  }
0x42: {  	[tilespmem:$0x5080] =	vst v0  }
0x43: {  	[tilespmem:$0x5090] =	vst v0  }
0x44: {  	[tilespmem:$0x50A0] =	vst v0  }
0x45: {  	[tilespmem:$0x50B0] =	vst v0  }
0x46: {  	[tilespmem:$0x50C0] =	vst v0  }
0x47: {  	[tilespmem:$0x50D0] =	vst v0  }
0x48: {  	[tilespmem:$0x50E0] =	vst v0  }
0x49: {  	s12 =	simm.s32 $0x0;
	[tilespmem:$0x50F0] =	vst v0  }
.LBB2_6:
0x4a: {  	s13 =	smul.u32 $0xA000, s12;
	_ =	sdelay $0x1  }
0x4b: {  	s13 =	sshra.s32 s13, $0x2  }
0x4c: {  	s13 =	sadd.s32 s13, s5  }
0x4d: {  	[tilespmem:s10], [sflag:$0x1] =	stream.linear.gather [spmem:s13], $0x280, $0x38;
	[tilespmem:$0xA100] =	vst v63  }
0x4e: {  	_ =	swait.ge [sflag:s8], $0x280  }
0x4f: {  	[sflag:s8] =	ssyncset.done $0x0  }
0x50: {  	s13 =	simm.s32 $0x0;
	[sflag:s8] =	ssyncadd.s32 $0xFFFFFD80  }
0x51: {  	s14 =	simm.s32 $0x40;
	v2 =	vld [tilespmem:s13+$0x7680]  }
.LBB2_7:
0x52: {  	p0 =	sne.s32 s14, $0x9C0;
	v3 =	vld [tilespmem:s13+$0x4E80];
	_ =	sdelay $0x2  }
.Ltmp2:
0x53: {  	(pc) =	sbr.rel @p0 .LBB2_7-.Ltmp2, $4  }
0x54: {  	_ = 	snop  }
0x55: {  	v3 =	vadd.f32 v2, v3  }
0x56: {  	s15 =	sshra.s32 s14, $0x2  }
0x57: {  	s14 =	sadd.s32 $0x40, s14;
	v2 =	vld [tilespmem:s15+$0x7680];
	[tilespmem:s13+$0x4E80] =	vst v3;
	s13 =	smov.u32 s15  }
0x58: {  	v3 =	vld [tilespmem:s13+$0x4E80]  }
0x59: {  	s12 =	sadd.s32 $0x1, s12  }
0x5a: {  	p0 =	sne.s32 s12, $0x10  }
.Ltmp3:
0x5b: {  	_ = 	snop;
	(pc) =	sbr.rel @p0 .LBB2_6-.Ltmp3, $3  }
0x5c: {  	_ = 	snop  }
0x5d: {  	v2 =	vadd.f32 v2, v3;
	_ =	sdelay $0x1  }
0x5e: {  	[tilespmem:s13+$0x4E80] =	vst v2  }
0x5f: {  	s12 =	simm.s32 $0x0  }
0x60: {  	v2 =	vld [tilespmem:s12+$0x4E80];
	_ =	sdelay $0x4  }
0x61: {  	s13 =	simm.s32 $0x10;
	(erf) = vrcp.f32 v2  }
0x62: {  	v2 =	vld [tilespmem:s13+$0x4E80];
	_ =	sdelay $0x2  }
0x63: {  	s14 =	simm.s32 $0x80  }
.LBB2_10:
0x64: {  	p0 =	sne.s32 s14, $0x9C0  }
.Ltmp4:
0x65: {  	s15 =	sshra.s32 s14, $0x2;
	s14 =	sadd.s32 $0x40, s14;
	(erf) = vrcp.f32 v2;
	(pc) =	sbr.rel @p0 .LBB2_10-.Ltmp4, $3  }
0x66: {  	v2 =	vld [tilespmem:s15+$0x4E80];
	_ =	sdelay $0x1  }
0x67: {  	v3 =	vpop (erf)  }
0x68: {  	[tilespmem:s12+$0x7680] =	vst v3;
	s12 =	smov.u32 s13;
	s13 =	smov.u32 s15  }
0x69: {  	_ = 	snop  }
0x6a: {  	(erf) = vrcp.f32 v2;
	_ =	sdelay $0x7  }
0x6b: {  	s11 =	sadd.s32 $0x1, s11;
	v2 =	vpop (erf)  }
0x6c: {  	p0 =	sne.s32 s11, s7;
	[tilespmem:s12+$0x7680] =	vst v2;
	v2 =	vpop (erf)  }
.Ltmp5:
0x6d: {  	[tilespmem:s13+$0x7680] =	vst v2;
	(pc) =	sbr.rel @p0 .LBB2_1-.Ltmp5, $4  }
0x6e: {  	[hbm4b:s6+s2] =	stream.linear.scatter [tilespmem:s10], [sflag:$0x1], $0x280, $0x38;
	[tilespmem:$0xA100] =	vst v63  }
0x6f: {  	_ =	swait.ge [sflag:s8], $0x280  }
0x70: {  	[sflag:s8] =	ssyncset.done $0x0  }
0x71: {  	[sflag:s8] =	ssyncadd.s32 $0xFFFFFD80  }
0x72: {  	_ =	sfence.sel $0x180000  }
0x73: {  	[bflag:$0x0] =	sbarrier.arrive $0xFFFF  }
0x74: {  	p0 =	sne.s32 s0, $0x0;
	_ =	strace $0x90000047  }
0x75: {  	s0 =	sadd.s32 @!p0 $0x100000, s1;
	[bflag:$0x2] =	sbarrier.arrive $0xFFFF  }
0x76: {  	[sflag:s0] =	ssyncadd.tile.s32 @!p0 $0x1;
	_ =	shalt  }
.Lfunc_end2:
_tile_overlayer_lowered:
.L_overlay_start_2:
0x77: {  	(tag) =	ssettag $0x2  }
0x78: {  	s0 =	rddreg [dreg:$0x0];
	s2 =	stileid.u32  }
0x79: {  	s1 =	rddreg [dreg:$0x1];
	p0 =	sne.s32 s2, $0x0  }
0x7a: {  	s3 =	rddreg [dreg:$0x2];
	[bflag:$0x3] =	sbarrier.arrive $0xFFFF;
	s2 =	simm.s32 @!p0 $0x1C01  }
0x7b: {  	[timem:s3], [sflag:s2] =	dma.local @!p0 [hbm:s0], s1  }
0x7c: {  	s0 =	simm.s32 @!p0 $0x1  }
0x7d: {  	_ =	swait.ge @!p0 [sflag:s0], s1  }
0x7e: {  	s1 =	ssub.s32 @!p0 $0x0, s1;
	[sflag:s0] =	ssyncset.done @!p0 $0x0  }
0x7f: {  	[sflag:s0] =	ssyncadd.s32 @!p0 s1  }
0x80: {  	[bflag:$0x3] =	sbarrier.arrive $0xFFFF  }
0x81: {  	_ =	shalt  }

</sc_bundles>
